<compile_context>
chip_gen: v7x
topology: tpu7x:2x2x1
jax: 0.10.2.dev20260603
libtpu: 0.0.44.dev20260713+nightly
codegen_flags: <defaults>
</compile_context>

<pallas_src>
import functools

import jax
import jax.numpy as jnp
from jax import lax
from jax.experimental import pallas as pl
from jax.experimental.pallas import tpu as pltpu
from jax.experimental.pallas import tpu_sc as plsc

B = 16384
L = 20
E = 128
NOUT = 1000

NC = 2
NS = 16
NW = NC * NS
LANES = 16

BPW = B // NW
TPW = BPW * L
SPG = 4
RPG = SPG * L
NG = BPW // SPG
NBUF = 2

_MESH = plsc.VectorSubcoreMesh(
    core_axis_name="c", subcore_axis_name="s", num_cores=NC, num_subcores=NS)


@functools.partial(
    pl.kernel,
    out_type=jax.ShapeDtypeStruct((B, E), jnp.float32),
    mesh=_MESH,
    scratch_types=[
        pltpu.VMEM((TPW,), jnp.int32),
        [pltpu.VMEM((RPG, E), jnp.float32)] * NBUF,
        [pltpu.VMEM((SPG, E), jnp.float32)] * NBUF,
        [pltpu.SemaphoreType.DMA] * NBUF,
        [pltpu.SemaphoreType.DMA] * NBUF,
    ],
)
def _pool(idx_hbm, table_hbm, out_hbm, idx_v, rows_v, pooled_v, gsem, fsem):
    wid = lax.axis_index("s") * NC + lax.axis_index("c")
    base_tok = wid * TPW
    base_row = wid * BPW
    pltpu.sync_copy(idx_hbm.at[pl.ds(base_tok, TPW)], idx_v)

    def start_gather(g, b):
        pltpu.async_copy(
            table_hbm.at[idx_v.at[pl.ds(g * RPG, RPG)]], rows_v[b], gsem[b])

    def wait_gather(b):
        pltpu.make_async_copy(
            table_hbm.at[idx_v.at[pl.ds(0, RPG)]], rows_v[b], gsem[b]).wait()

    def wait_flush(b):
        pltpu.make_async_copy(
            pooled_v[b], out_hbm.at[pl.ds(base_row, SPG)], fsem[b]).wait()

    for b in range(NBUF):
        start_gather(b, b)

    def step(gg, carry):
        for b in range(NBUF):
            g = gg * NBUF + b
            wait_gather(b)
            @pl.when(g >= NBUF)
            def _():
                wait_flush(b)
            rows = rows_v[b]
            pooled = pooled_v[b]

            def sample_body(i, c):
                base = i * L

                def row_body(t, accs):
                    return tuple(
                        accs[v] + rows[base + t, pl.ds(v * LANES, LANES)]
                        for v in range(E // LANES))

                accs = tuple(
                    rows[base, pl.ds(v * LANES, LANES)]
                    for v in range(E // LANES))
                accs = lax.fori_loop(1, L, row_body, accs)
                for v in range(E // LANES):
                    pooled[i, pl.ds(v * LANES, LANES)] = accs[v]
                return c

            lax.fori_loop(0, SPG, sample_body, 0)
            @pl.when(g + NBUF < NG)
            def _():
                start_gather(g + NBUF, b)
            pltpu.async_copy(
                pooled, out_hbm.at[pl.ds(base_row + g * SPG, SPG)], fsem[b])
        return carry

    lax.fori_loop(0, NG // NBUF, step, 0)
    for b in range(NBUF):
        wait_flush(b)


BM = 512


def _mm_body(wt_ref, x_ref, b_ref, o_ref):
    wt = wt_ref[...].astype(jnp.bfloat16)
    x = x_ref[...].astype(jnp.bfloat16)
    o = jax.lax.dot_general(
        wt, x, (((1,), (1,)), ((), ())), preferred_element_type=jnp.float32)
    o_ref[...] = o * (1.0 / L) + b_ref[...]


def _head_t(pooled, fc_wt, fc_bc):
    return pl.pallas_call(
        _mm_body,
        grid=(B // BM,),
        in_specs=[
            pl.BlockSpec((NOUT, E), lambda i: (0, 0)),
            pl.BlockSpec((BM, E), lambda i: (i, 0)),
            pl.BlockSpec((NOUT, 1), lambda i: (0, 0)),
        ],
        out_specs=pl.BlockSpec((NOUT, BM), lambda i: (0, i)),
        out_shape=jax.ShapeDtypeStruct((NOUT, B), jnp.float32),
    )(fc_wt, pooled, fc_bc)


def kernel(sentence_batch, emb_table, fc_w, fc_b):
    idx_flat = sentence_batch.reshape(-1).astype(jnp.int32)
    pooled = _pool(idx_flat, emb_table)
    out_t = _head_t(pooled, fc_w.T, fc_b.reshape(NOUT, 1))
    return out_t.T

# --- scband reference (transcript-rebuilt; emitter-appended) ---
"""Pipeline reference for scband-embedding-classifier-28630251995221 (READ-ONLY COPY).

The authoritative reference and input builder live on the scoring server;
editing this copy changes nothing except your own understanding.
"""

import jax, jax.numpy as jnp
import numpy as np

VOCAB = 100000
EMBED = 128
TARGET = 1000
B = 16384
L = 20

def setup_inputs(seed: int = 0) -> dict:
    key = jax.random.key(seed)
    k1, k2, k3, k4 = jax.random.split(key, 4)
    sentence_batch = jax.random.randint(k1, (B, L), 0, VOCAB, dtype=jnp.int64 if jax.config.jax_enable_x64 else jnp.int32)
    emb_table = jax.random.normal(k2, (VOCAB, EMBED), dtype=jnp.float32)
    fc_w = jax.random.normal(k3, (EMBED, TARGET), dtype=jnp.float32) * (1.0 / np.sqrt(EMBED))
    fc_b = jax.random.normal(k4, (TARGET,), dtype=jnp.float32) * 0.01
    return {"sentence_batch": sentence_batch, "emb_table": emb_table, "fc_w": fc_w, "fc_b": fc_b}

def reference(sentence_batch, emb_table, fc_w, fc_b):
    # embedding lookup: [B, L] -> [B, L, EMBED]
    token_embedding = jnp.take(emb_table, sentence_batch, axis=0)
    # mean over sequence dim
    token_embedding_mean = jnp.mean(token_embedding, axis=1)
    # linear head
    logits = token_embedding_mean @ fc_w + fc_b
    return logits

if __name__ == "__main__":
    import jax
    _d = setup_inputs()
    print(jax.jit(kernel)(*tuple(_d.values())))

</pallas_src>

<mosaic_0001>
#map = affine_map<(d0, d1) -> (0)>
#map1 = affine_map<(d0, d1) -> (0, 0)>
module attributes {stable_mosaic.version = 14 : i64} {
  func.func @_pool(%arg0: i32, %arg1: i32, %arg2: memref<327680xi32, #tpu.memory_space<hbm>>, %arg3: memref<100000x128xf32, #tpu.memory_space<hbm>>, %arg4: memref<16384x128xf32, #tpu.memory_space<hbm>>, %arg5: memref<10240xi32, #tpu.memory_space<vmem>>, %arg6: memref<80x128xf32, #tpu.memory_space<vmem>>, %arg7: memref<80x128xf32, #tpu.memory_space<vmem>>, %arg8: memref<4x128xf32, #tpu.memory_space<vmem>>, %arg9: memref<4x128xf32, #tpu.memory_space<vmem>>, %arg10: memref<!tpu.dma_semaphore, #tpu.memory_space<semaphore_mem>>, %arg11: memref<!tpu.dma_semaphore, #tpu.memory_space<semaphore_mem>>, %arg12: memref<!tpu.dma_semaphore, #tpu.memory_space<semaphore_mem>>, %arg13: memref<!tpu.dma_semaphore, #tpu.memory_space<semaphore_mem>>) attributes {dimension_semantics = [#tpu.dimension_semantics<core_parallel>, #tpu.dimension_semantics<subcore_parallel>], iteration_bounds = array<i64: 2, 16>, scalar_prefetch = 0 : i64, scratch_operands = 9 : i64, tpu.core_type = #tpu.core_type<sc_vector_subcore>, window_params = [{transform_indices = #map}, {transform_indices = #map1}, {transform_indices = #map1}]} {
    %mul3A = arith.constant 2 : i32
    %mul3A_0 = arith.muli %arg1, %mul3A : i32
    %add3A = arith.addi %mul3A_0, %arg0 : i32
    %mul3A_1 = arith.constant 10240 : i32
    %mul3A_2 = arith.muli %add3A, %mul3A_1 : i32
    %mul3A_3 = arith.constant 512 : i32
    %mul3A_4 = arith.muli %add3A, %mul3A_3 : i32
    "tpu.region"() ({
      %run_scoped3A = tpu.sem_alloc : memref<!tpu.dma_semaphore, #tpu.memory_space<semaphore_mem>>
      %dma_start3A_26 = tpu.memref_slice %arg2[%mul3A_2] : memref<327680xi32, #tpu.memory_space<hbm>> -> memref<10240xi32, #tpu.memory_space<hbm>>
      %dma_start3A_27 = tpu.memref_slice %arg2[%mul3A_2] : memref<327680xi32, #tpu.memory_space<hbm>> -> memref<10240xi32, #tpu.memory_space<hbm>>
      tpu.enqueue_dma source(%dma_start3A_27 : memref<10240xi32, #tpu.memory_space<hbm>>) target(%arg5 : memref<10240xi32, #tpu.memory_space<vmem>>) target_semaphore(%run_scoped3A : memref<!tpu.dma_semaphore, #tpu.memory_space<semaphore_mem>>)
      %dma_wait3A_28 = tpu.memref_slice %arg2[%mul3A_2] : memref<327680xi32, #tpu.memory_space<hbm>> -> memref<10240xi32, #tpu.memory_space<hbm>>
      %dma_wait3A_29 = tpu.memref_slice %arg2[%mul3A_2] : memref<327680xi32, #tpu.memory_space<hbm>> -> memref<10240xi32, #tpu.memory_space<hbm>>
      tpu.wait_dma2 semaphore(%run_scoped3A : memref<!tpu.dma_semaphore, #tpu.memory_space<semaphore_mem>>) src(%dma_wait3A_29 : memref<10240xi32, #tpu.memory_space<hbm>>) dst(%arg5 : memref<10240xi32, #tpu.memory_space<vmem>>)
      tpu.yield
    }) : () -> ()
    %dma_start3A = arith.constant 0 : i32
    %dma_start3A_5 = tpu.memref_slice %arg5[%dma_start3A] : memref<10240xi32, #tpu.memory_space<vmem>> -> memref<80xi32, #tpu.memory_space<vmem>>
    %dma_start3A_6 = arith.constant 0 : i32
    %dma_start3A_7 = arith.constant 0 : i32
    %dma_start3A_8 = tpu.memref_slice %arg3[%dma_start3A_6, %dma_start3A_7] : memref<100000x128xf32, #tpu.memory_space<hbm>> -> memref<100000x128xf32, #tpu.memory_space<hbm>>
    tpu.enqueue_indirect_dma source(%dma_start3A_8 : memref<100000x128xf32, #tpu.memory_space<hbm>>) target(%arg6 : memref<80x128xf32, #tpu.memory_space<vmem>>) offsets(%dma_start3A_5 : memref<80xi32, #tpu.memory_space<vmem>>) semaphore(%arg10 : memref<!tpu.dma_semaphore, #tpu.memory_space<semaphore_mem>>)
    %dma_start3A_9 = arith.constant 80 : i32
    %dma_start3A_10 = tpu.memref_slice %arg5[%dma_start3A_9] : memref<10240xi32, #tpu.memory_space<vmem>> -> memref<80xi32, #tpu.memory_space<vmem>>
    %dma_start3A_11 = arith.constant 0 : i32
    %dma_start3A_12 = arith.constant 0 : i32
    %dma_start3A_13 = tpu.memref_slice %arg3[%dma_start3A_11, %dma_start3A_12] : memref<100000x128xf32, #tpu.memory_space<hbm>> -> memref<100000x128xf32, #tpu.memory_space<hbm>>
    tpu.enqueue_indirect_dma source(%dma_start3A_13 : memref<100000x128xf32, #tpu.memory_space<hbm>>) target(%arg7 : memref<80x128xf32, #tpu.memory_space<vmem>>) offsets(%dma_start3A_10 : memref<80xi32, #tpu.memory_space<vmem>>) semaphore(%arg11 : memref<!tpu.dma_semaphore, #tpu.memory_space<semaphore_mem>>)
    %scan3A = arith.constant 0 : i32
    %scan3A_14 = arith.constant 0 : i32
    %scan3A_15 = arith.constant 64 : i32
    %scan3A_16 = arith.addi %scan3A_14, %scan3A_15 : i32
    %scan3A_17 = arith.constant 1 : i32
    scf.for %scan3A_26 = %scan3A_14 to %scan3A_16 step %scan3A_17  : i32 {
      %mul3A_27 = arith.constant 2 : i32
      %mul3A_28 = arith.muli %scan3A_26, %mul3A_27 : i32
      %add3A_29 = arith.constant 0 : i32
      %add3A_30 = arith.addi %mul3A_28, %add3A_29 : i32
      %dma_wait3A_31 = arith.constant 0 : i32
      %dma_wait3A_32 = tpu.memref_slice %arg5[%dma_wait3A_31] : memref<10240xi32, #tpu.memory_space<vmem>> -> memref<80xi32, #tpu.memory_space<vmem>>
      %dma_wait3A_33 = arith.constant 0 : i32
      %dma_wait3A_34 = arith.constant 0 : i32
      %dma_wait3A_35 = tpu.memref_slice %arg3[%dma_wait3A_33, %dma_wait3A_34] : memref<100000x128xf32, #tpu.memory_space<hbm>> -> memref<100000x128xf32, #tpu.memory_space<hbm>>
      tpu.wait_indirect_dma semaphore(%arg10 : memref<!tpu.dma_semaphore, #tpu.memory_space<semaphore_mem>>) src(%dma_wait3A_35 : memref<100000x128xf32, #tpu.memory_space<hbm>>) dst(%arg6 : memref<80x128xf32, #tpu.memory_space<vmem>>)
      %ge3A = arith.constant 2 : i32
      %ge3A_36 = arith.cmpi sge, %add3A_30, %ge3A : i32
      %convert_element_type3A = arith.extui %ge3A_36 : i1 to i32
      %cond3A = arith.constant 0 : i32
      %cond3A_37 = arith.cmpi ne, %convert_element_type3A, %cond3A : i32
      scf.if %cond3A_37 {
        %dma_wait3A_91 = arith.constant 0 : i32
        %dma_wait3A_92 = tpu.memref_slice %arg4[%mul3A_4, %dma_wait3A_91] : memref<16384x128xf32, #tpu.memory_space<hbm>> -> memref<4x128xf32, #tpu.memory_space<hbm>>
        %dma_wait3A_93 = arith.constant 0 : i32
        %dma_wait3A_94 = tpu.memref_slice %arg4[%mul3A_4, %dma_wait3A_93] : memref<16384x128xf32, #tpu.memory_space<hbm>> -> memref<4x128xf32, #tpu.memory_space<hbm>>
        tpu.wait_dma2 semaphore(%arg12 : memref<!tpu.dma_semaphore, #tpu.memory_space<semaphore_mem>>) src(%arg8 : memref<4x128xf32, #tpu.memory_space<vmem>>) dst(%dma_wait3A_94 : memref<4x128xf32, #tpu.memory_space<hbm>>)
      } else {
      }
      %scan3A_38 = arith.constant 0 : i32
      %scan3A_39 = arith.constant 0 : i32
      %scan3A_40 = arith.constant 4 : i32
      %scan3A_41 = arith.addi %scan3A_39, %scan3A_40 : i32
      %scan3A_42 = arith.constant 1 : i32
      scf.for %scan3A_91 = %scan3A_39 to %scan3A_41 step %scan3A_42  : i32 {
        %mul3A_92 = arith.constant 20 : i32
        %mul3A_93 = arith.muli %scan3A_91, %mul3A_92 : i32
        %get3A = arith.index_cast %mul3A_93 : i32 to index
        %get3A_94 = arith.constant 0 : index
        %get3A_95 = tpu.vector_load %arg6[%get3A, %get3A_94] {strides = array<i32>} : memref<80x128xf32, #tpu.memory_space<vmem>>, vector<1x16xf32>,
        %get3A_96 = vector.shape_cast %get3A_95 : vector<1x16xf32> to vector<16xf32>
        %get3A_97 = arith.index_cast %mul3A_93 : i32 to index
        %get3A_98 = arith.constant 16 : index
        %get3A_99 = tpu.vector_load %arg6[%get3A_97, %get3A_98] {strides = array<i32>} : memref<80x128xf32, #tpu.memory_space<vmem>>, vector<1x16xf32>,
        %get3A_100 = vector.shape_cast %get3A_99 : vector<1x16xf32> to vector<16xf32>
        %get3A_101 = arith.index_cast %mul3A_93 : i32 to index
        %get3A_102 = arith.constant 32 : index
        %get3A_103 = tpu.vector_load %arg6[%get3A_101, %get3A_102] {strides = array<i32>} : memref<80x128xf32, #tpu.memory_space<vmem>>, vector<1x16xf32>,
        %get3A_104 = vector.shape_cast %get3A_103 : vector<1x16xf32> to vector<16xf32>
        %get3A_105 = arith.index_cast %mul3A_93 : i32 to index
        %get3A_106 = arith.constant 48 : index
        %get3A_107 = tpu.vector_load %arg6[%get3A_105, %get3A_106] {strides = array<i32>} : memref<80x128xf32, #tpu.memory_space<vmem>>, vector<1x16xf32>,
        %get3A_108 = vector.shape_cast %get3A_107 : vector<1x16xf32> to vector<16xf32>
        %get3A_109 = arith.index_cast %mul3A_93 : i32 to index
        %get3A_110 = arith.constant 64 : index
        %get3A_111 = tpu.vector_load %arg6[%get3A_109, %get3A_110] {strides = array<i32>} : memref<80x128xf32, #tpu.memory_space<vmem>>, vector<1x16xf32>,
        %get3A_112 = vector.shape_cast %get3A_111 : vector<1x16xf32> to vector<16xf32>
        %get3A_113 = arith.index_cast %mul3A_93 : i32 to index
        %get3A_114 = arith.constant 80 : index
        %get3A_115 = tpu.vector_load %arg6[%get3A_113, %get3A_114] {strides = array<i32>} : memref<80x128xf32, #tpu.memory_space<vmem>>, vector<1x16xf32>,
        %get3A_116 = vector.shape_cast %get3A_115 : vector<1x16xf32> to vector<16xf32>
        %get3A_117 = arith.index_cast %mul3A_93 : i32 to index
        %get3A_118 = arith.constant 96 : index
        %get3A_119 = tpu.vector_load %arg6[%get3A_117, %get3A_118] {strides = array<i32>} : memref<80x128xf32, #tpu.memory_space<vmem>>, vector<1x16xf32>,
        %get3A_120 = vector.shape_cast %get3A_119 : vector<1x16xf32> to vector<16xf32>
        %get3A_121 = arith.index_cast %mul3A_93 : i32 to index
        %get3A_122 = arith.constant 112 : index
        %get3A_123 = tpu.vector_load %arg6[%get3A_121, %get3A_122] {strides = array<i32>} : memref<80x128xf32, #tpu.memory_space<vmem>>, vector<1x16xf32>,
        %get3A_124 = vector.shape_cast %get3A_123 : vector<1x16xf32> to vector<16xf32>
        %scan3A_125 = arith.constant 1 : i32
        %scan3A_126 = arith.constant 19 : i32
        %scan3A_127 = arith.addi %scan3A_125, %scan3A_126 : i32
        %scan3A_128 = arith.constant 1 : i32
        %scan3A_129:8 = scf.for %scan3A_170 = %scan3A_125 to %scan3A_127 step %scan3A_128 iter_args(%scan3A_171 = %get3A_96, %scan3A_172 = %get3A_100, %scan3A_173 = %get3A_104, %scan3A_174 = %get3A_108, %scan3A_175 = %get3A_112, %scan3A_176 = %get3A_116, %scan3A_177 = %get3A_120, %scan3A_178 = %get3A_124) -> (vector<16xf32>, vector<16xf32>, vector<16xf32>, vector<16xf32>, vector<16xf32>, vector<16xf32>, vector<16xf32>, vector<16xf32>)  : i32 {
          %add3A_179 = arith.addi %mul3A_93, %scan3A_170 : i32
          %get3A_180 = arith.index_cast %add3A_179 : i32 to index
          %get3A_181 = arith.constant 0 : index
          %get3A_182 = tpu.vector_load %arg6[%get3A_180, %get3A_181] {strides = array<i32>} : memref<80x128xf32, #tpu.memory_space<vmem>>, vector<1x16xf32>,
          %get3A_183 = vector.shape_cast %get3A_182 : vector<1x16xf32> to vector<16xf32>
          %add3A_184 = arith.addf %scan3A_171, %get3A_183 : vector<16xf32>
          %add3A_185 = arith.addi %mul3A_93, %scan3A_170 : i32
          %get3A_186 = arith.index_cast %add3A_185 : i32 to index
          %get3A_187 = arith.constant 16 : index
          %get3A_188 = tpu.vector_load %arg6[%get3A_186, %get3A_187] {strides = array<i32>} : memref<80x128xf32, #tpu.memory_space<vmem>>, vector<1x16xf32>,
          %get3A_189 = vector.shape_cast %get3A_188 : vector<1x16xf32> to vector<16xf32>
          %add3A_190 = arith.addf %scan3A_172, %get3A_189 : vector<16xf32>
          %add3A_191 = arith.addi %mul3A_93, %scan3A_170 : i32
          %get3A_192 = arith.index_cast %add3A_191 : i32 to index
          %get3A_193 = arith.constant 32 : index
          %get3A_194 = tpu.vector_load %arg6[%get3A_192, %get3A_193] {strides = array<i32>} : memref<80x128xf32, #tpu.memory_space<vmem>>, vector<1x16xf32>,
          %get3A_195 = vector.shape_cast %get3A_194 : vector<1x16xf32> to vector<16xf32>
          %add3A_196 = arith.addf %scan3A_173, %get3A_195 : vector<16xf32>
          %add3A_197 = arith.addi %mul3A_93, %scan3A_170 : i32
          %get3A_198 = arith.index_cast %add3A_197 : i32 to index
          %get3A_199 = arith.constant 48 : index
          %get3A_200 = tpu.vector_load %arg6[%get3A_198, %get3A_199] {strides = array<i32>} : memref<80x128xf32, #tpu.memory_space<vmem>>, vector<1x16xf32>,
          %get3A_201 = vector.shape_cast %get3A_200 : vector<1x16xf32> to vector<16xf32>
          %add3A_202 = arith.addf %scan3A_174, %get3A_201 : vector<16xf32>
          %add3A_203 = arith.addi %mul3A_93, %scan3A_170 : i32
          %get3A_204 = arith.index_cast %add3A_203 : i32 to index
          %get3A_205 = arith.constant 64 : index
          %get3A_206 = tpu.vector_load %arg6[%get3A_204, %get3A_205] {strides = array<i32>} : memref<80x128xf32, #tpu.memory_space<vmem>>, vector<1x16xf32>,
          %get3A_207 = vector.shape_cast %get3A_206 : vector<1x16xf32> to vector<16xf32>
          %add3A_208 = arith.addf %scan3A_175, %get3A_207 : vector<16xf32>
          %add3A_209 = arith.addi %mul3A_93, %scan3A_170 : i32
          %get3A_210 = arith.index_cast %add3A_209 : i32 to index
          %get3A_211 = arith.constant 80 : index
          %get3A_212 = tpu.vector_load %arg6[%get3A_210, %get3A_211] {strides = array<i32>} : memref<80x128xf32, #tpu.memory_space<vmem>>, vector<1x16xf32>,
          %get3A_213 = vector.shape_cast %get3A_212 : vector<1x16xf32> to vector<16xf32>
          %add3A_214 = arith.addf %scan3A_176, %get3A_213 : vector<16xf32>
          %add3A_215 = arith.addi %mul3A_93, %scan3A_170 : i32
          %get3A_216 = arith.index_cast %add3A_215 : i32 to index
          %get3A_217 = arith.constant 96 : index
          %get3A_218 = tpu.vector_load %arg6[%get3A_216, %get3A_217] {strides = array<i32>} : memref<80x128xf32, #tpu.memory_space<vmem>>, vector<1x16xf32>,
          %get3A_219 = vector.shape_cast %get3A_218 : vector<1x16xf32> to vector<16xf32>
          %add3A_220 = arith.addf %scan3A_177, %get3A_219 : vector<16xf32>
          %add3A_221 = arith.addi %mul3A_93, %scan3A_170 : i32
          %get3A_222 = arith.index_cast %add3A_221 : i32 to index
          %get3A_223 = arith.constant 112 : index
          %get3A_224 = tpu.vector_load %arg6[%get3A_222, %get3A_223] {strides = array<i32>} : memref<80x128xf32, #tpu.memory_space<vmem>>, vector<1x16xf32>,
          %get3A_225 = vector.shape_cast %get3A_224 : vector<1x16xf32> to vector<16xf32>
          %add3A_226 = arith.addf %scan3A_178, %get3A_225 : vector<16xf32>
          scf.yield %add3A_184, %add3A_190, %add3A_196, %add3A_202, %add3A_208, %add3A_214, %add3A_220, %add3A_226 : vector<16xf32>, vector<16xf32>, vector<16xf32>, vector<16xf32>, vector<16xf32>, vector<16xf32>, vector<16xf32>, vector<16xf32>
        }
        %scan3A_130 = arith.constant 19 : i32
        %swap3A = arith.index_cast %scan3A_91 : i32 to index
        %swap3A_131 = arith.constant 0 : index
        %swap3A_132 = tpu.vector_load %arg8[%swap3A, %swap3A_131] {strides = array<i32>} : memref<4x128xf32, #tpu.memory_space<vmem>>, vector<1x16xf32>,
        %swap3A_133 = vector.shape_cast %swap3A_132 : vector<1x16xf32> to vector<16xf32>
        %swap3A_134 = vector.shape_cast %scan3A_129#0 : vector<16xf32> to vector<1x16xf32>
        tpu.vector_store %arg8[%swap3A, %swap3A_131], %swap3A_134 {strides = array<i32>} : memref<4x128xf32, #tpu.memory_space<vmem>>, vector<1x16xf32>,
        %swap3A_135 = arith.index_cast %scan3A_91 : i32 to index
        %swap3A_136 = arith.constant 16 : index
        %swap3A_137 = tpu.vector_load %arg8[%swap3A_135, %swap3A_136] {strides = array<i32>} : memref<4x128xf32, #tpu.memory_space<vmem>>, vector<1x16xf32>,
        %swap3A_138 = vector.shape_cast %swap3A_137 : vector<1x16xf32> to vector<16xf32>
        %swap3A_139 = vector.shape_cast %scan3A_129#1 : vector<16xf32> to vector<1x16xf32>
        tpu.vector_store %arg8[%swap3A_135, %swap3A_136], %swap3A_139 {strides = array<i32>} : memref<4x128xf32, #tpu.memory_space<vmem>>, vector<1x16xf32>,
        %swap3A_140 = arith.index_cast %scan3A_91 : i32 to index
        %swap3A_141 = arith.constant 32 : index
        %swap3A_142 = tpu.vector_load %arg8[%swap3A_140, %swap3A_141] {strides = array<i32>} : memref<4x128xf32, #tpu.memory_space<vmem>>, vector<1x16xf32>,
        %swap3A_143 = vector.shape_cast %swap3A_142 : vector<1x16xf32> to vector<16xf32>
        %swap3A_144 = vector.shape_cast %scan3A_129#2 : vector<16xf32> to vector<1x16xf32>
        tpu.vector_store %arg8[%swap3A_140, %swap3A_141], %swap3A_144 {strides = array<i32>} : memref<4x128xf32, #tpu.memory_space<vmem>>, vector<1x16xf32>,
        %swap3A_145 = arith.index_cast %scan3A_91 : i32 to index
        %swap3A_146 = arith.constant 48 : index
        %swap3A_147 = tpu.vector_load %arg8[%swap3A_145, %swap3A_146] {strides = array<i32>} : memref<4x128xf32, #tpu.memory_space<vmem>>, vector<1x16xf32>,
        %swap3A_148 = vector.shape_cast %swap3A_147 : vector<1x16xf32> to vector<16xf32>
        %swap3A_149 = vector.shape_cast %scan3A_129#3 : vector<16xf32> to vector<1x16xf32>
        tpu.vector_store %arg8[%swap3A_145, %swap3A_146], %swap3A_149 {strides = array<i32>} : memref<4x128xf32, #tpu.memory_space<vmem>>, vector<1x16xf32>,
        %swap3A_150 = arith.index_cast %scan3A_91 : i32 to index
        %swap3A_151 = arith.constant 64 : index
        %swap3A_152 = tpu.vector_load %arg8[%swap3A_150, %swap3A_151] {strides = array<i32>} : memref<4x128xf32, #tpu.memory_space<vmem>>, vector<1x16xf32>,
        %swap3A_153 = vector.shape_cast %swap3A_152 : vector<1x16xf32> to vector<16xf32>
        %swap3A_154 = vector.shape_cast %scan3A_129#4 : vector<16xf32> to vector<1x16xf32>
        tpu.vector_store %arg8[%swap3A_150, %swap3A_151], %swap3A_154 {strides = array<i32>} : memref<4x128xf32, #tpu.memory_space<vmem>>, vector<1x16xf32>,
        %swap3A_155 = arith.index_cast %scan3A_91 : i32 to index
        %swap3A_156 = arith.constant 80 : index
        %swap3A_157 = tpu.vector_load %arg8[%swap3A_155, %swap3A_156] {strides = array<i32>} : memref<4x128xf32, #tpu.memory_space<vmem>>, vector<1x16xf32>,
        %swap3A_158 = vector.shape_cast %swap3A_157 : vector<1x16xf32> to vector<16xf32>
        %swap3A_159 = vector.shape_cast %scan3A_129#5 : vector<16xf32> to vector<1x16xf32>
        tpu.vector_store %arg8[%swap3A_155, %swap3A_156], %swap3A_159 {strides = array<i32>} : memref<4x128xf32, #tpu.memory_space<vmem>>, vector<1x16xf32>,
        %swap3A_160 = arith.index_cast %scan3A_91 : i32 to index
        %swap3A_161 = arith.constant 96 : index
        %swap3A_162 = tpu.vector_load %arg8[%swap3A_160, %swap3A_161] {strides = array<i32>} : memref<4x128xf32, #tpu.memory_space<vmem>>, vector<1x16xf32>,
        %swap3A_163 = vector.shape_cast %swap3A_162 : vector<1x16xf32> to vector<16xf32>
        %swap3A_164 = vector.shape_cast %scan3A_129#6 : vector<16xf32> to vector<1x16xf32>
        tpu.vector_store %arg8[%swap3A_160, %swap3A_161], %swap3A_164 {strides = array<i32>} : memref<4x128xf32, #tpu.memory_space<vmem>>, vector<1x16xf32>,
        %swap3A_165 = arith.index_cast %scan3A_91 : i32 to index
        %swap3A_166 = arith.constant 112 : index
        %swap3A_167 = tpu.vector_load %arg8[%swap3A_165, %swap3A_166] {strides = array<i32>} : memref<4x128xf32, #tpu.memory_space<vmem>>, vector<1x16xf32>,
        %swap3A_168 = vector.shape_cast %swap3A_167 : vector<1x16xf32> to vector<16xf32>
        %swap3A_169 = vector.shape_cast %scan3A_129#7 : vector<16xf32> to vector<1x16xf32>
        tpu.vector_store %arg8[%swap3A_165, %swap3A_166], %swap3A_169 {strides = array<i32>} : memref<4x128xf32, #tpu.memory_space<vmem>>, vector<1x16xf32>,
      }
      %scan3A_43 = arith.constant 4 : i32
      %add3A_44 = arith.constant 2 : i32
      %add3A_45 = arith.addi %add3A_30, %add3A_44 : i32
      %lt3A = arith.constant 128 : i32
      %lt3A_46 = arith.cmpi slt, %add3A_45, %lt3A : i32
      %convert_element_type3A_47 = arith.extui %lt3A_46 : i1 to i32
      %cond3A_48 = arith.constant 0 : i32
      %cond3A_49 = arith.cmpi ne, %convert_element_type3A_47, %cond3A_48 : i32
      scf.if %cond3A_49 {
        %add3A_91 = arith.constant 2 : i32
        %add3A_92 = arith.addi %add3A_30, %add3A_91 : i32
        %mul3A_93 = arith.constant 80 : i32
        %mul3A_94 = arith.muli %add3A_92, %mul3A_93 : i32
        %dma_start3A_95 = tpu.memref_slice %arg5[%mul3A_94] : memref<10240xi32, #tpu.memory_space<vmem>> -> memref<80xi32, #tpu.memory_space<vmem>>
        %dma_start3A_96 = arith.constant 0 : i32
        %dma_start3A_97 = arith.constant 0 : i32
        %dma_start3A_98 = tpu.memref_slice %arg3[%dma_start3A_96, %dma_start3A_97] : memref<100000x128xf32, #tpu.memory_space<hbm>> -> memref<100000x128xf32, #tpu.memory_space<hbm>>
        tpu.enqueue_indirect_dma source(%dma_start3A_98 : memref<100000x128xf32, #tpu.memory_space<hbm>>) target(%arg6 : memref<80x128xf32, #tpu.memory_space<vmem>>) offsets(%dma_start3A_95 : memref<80xi32, #tpu.memory_space<vmem>>) semaphore(%arg10 : memref<!tpu.dma_semaphore, #tpu.memory_space<semaphore_mem>>)
      } else {
      }
      %mul3A_50 = arith.constant 4 : i32
      %mul3A_51 = arith.muli %add3A_30, %mul3A_50 : i32
      %add3A_52 = arith.addi %mul3A_4, %mul3A_51 : i32
      %dma_start3A_53 = arith.constant 0 : i32
      %dma_start3A_54 = tpu.memref_slice %arg4[%add3A_52, %dma_start3A_53] : memref<16384x128xf32, #tpu.memory_space<hbm>> -> memref<4x128xf32, #tpu.memory_space<hbm>>
      %dma_start3A_55 = arith.constant 0 : i32
      %dma_start3A_56 = tpu.memref_slice %arg4[%add3A_52, %dma_start3A_55] : memref<16384x128xf32, #tpu.memory_space<hbm>> -> memref<4x128xf32, #tpu.memory_space<hbm>>
      tpu.enqueue_dma source(%arg8 : memref<4x128xf32, #tpu.memory_space<vmem>>) target(%dma_start3A_56 : memref<4x128xf32, #tpu.memory_space<hbm>>) target_semaphore(%arg12 : memref<!tpu.dma_semaphore, #tpu.memory_space<semaphore_mem>>)
      %mul3A_57 = arith.constant 2 : i32
      %mul3A_58 = arith.muli %scan3A_26, %mul3A_57 : i32
      %add3A_59 = arith.constant 1 : i32
      %add3A_60 = arith.addi %mul3A_58, %add3A_59 : i32
      %dma_wait3A_61 = arith.constant 0 : i32
      %dma_wait3A_62 = tpu.memref_slice %arg5[%dma_wait3A_61] : memref<10240xi32, #tpu.memory_space<vmem>> -> memref<80xi32, #tpu.memory_space<vmem>>
      %dma_wait3A_63 = arith.constant 0 : i32
      %dma_wait3A_64 = arith.constant 0 : i32
      %dma_wait3A_65 = tpu.memref_slice %arg3[%dma_wait3A_63, %dma_wait3A_64] : memref<100000x128xf32, #tpu.memory_space<hbm>> -> memref<100000x128xf32, #tpu.memory_space<hbm>>
      tpu.wait_indirect_dma semaphore(%arg11 : memref<!tpu.dma_semaphore, #tpu.memory_space<semaphore_mem>>) src(%dma_wait3A_65 : memref<100000x128xf32, #tpu.memory_space<hbm>>) dst(%arg7 : memref<80x128xf32, #tpu.memory_space<vmem>>)
      %ge3A_66 = arith.constant 2 : i32
      %ge3A_67 = arith.cmpi sge, %add3A_60, %ge3A_66 : i32
      %convert_element_type3A_68 = arith.extui %ge3A_67 : i1 to i32
      %cond3A_69 = arith.constant 0 : i32
      %cond3A_70 = arith.cmpi ne, %convert_element_type3A_68, %cond3A_69 : i32
      scf.if %cond3A_70 {
        %dma_wait3A_91 = arith.constant 0 : i32
        %dma_wait3A_92 = tpu.memref_slice %arg4[%mul3A_4, %dma_wait3A_91] : memref<16384x128xf32, #tpu.memory_space<hbm>> -> memref<4x128xf32, #tpu.memory_space<hbm>>
        %dma_wait3A_93 = arith.constant 0 : i32
        %dma_wait3A_94 = tpu.memref_slice %arg4[%mul3A_4, %dma_wait3A_93] : memref<16384x128xf32, #tpu.memory_space<hbm>> -> memref<4x128xf32, #tpu.memory_space<hbm>>
        tpu.wait_dma2 semaphore(%arg13 : memref<!tpu.dma_semaphore, #tpu.memory_space<semaphore_mem>>) src(%arg9 : memref<4x128xf32, #tpu.memory_space<vmem>>) dst(%dma_wait3A_94 : memref<4x128xf32, #tpu.memory_space<hbm>>)
      } else {
      }
      %scan3A_71 = arith.constant 0 : i32
      %scan3A_72 = arith.constant 0 : i32
      %scan3A_73 = arith.constant 4 : i32
      %scan3A_74 = arith.addi %scan3A_72, %scan3A_73 : i32
      %scan3A_75 = arith.constant 1 : i32
      scf.for %scan3A_91 = %scan3A_72 to %scan3A_74 step %scan3A_75  : i32 {
        %mul3A_92 = arith.constant 20 : i32
        %mul3A_93 = arith.muli %scan3A_91, %mul3A_92 : i32
        %get3A = arith.index_cast %mul3A_93 : i32 to index
        %get3A_94 = arith.constant 0 : index
        %get3A_95 = tpu.vector_load %arg7[%get3A, %get3A_94] {strides = array<i32>} : memref<80x128xf32, #tpu.memory_space<vmem>>, vector<1x16xf32>,
        %get3A_96 = vector.shape_cast %get3A_95 : vector<1x16xf32> to vector<16xf32>
        %get3A_97 = arith.index_cast %mul3A_93 : i32 to index
        %get3A_98 = arith.constant 16 : index
        %get3A_99 = tpu.vector_load %arg7[%get3A_97, %get3A_98] {strides = array<i32>} : memref<80x128xf32, #tpu.memory_space<vmem>>, vector<1x16xf32>,
        %get3A_100 = vector.shape_cast %get3A_99 : vector<1x16xf32> to vector<16xf32>
        %get3A_101 = arith.index_cast %mul3A_93 : i32 to index
        %get3A_102 = arith.constant 32 : index
        %get3A_103 = tpu.vector_load %arg7[%get3A_101, %get3A_102] {strides = array<i32>} : memref<80x128xf32, #tpu.memory_space<vmem>>, vector<1x16xf32>,
        %get3A_104 = vector.shape_cast %get3A_103 : vector<1x16xf32> to vector<16xf32>
        %get3A_105 = arith.index_cast %mul3A_93 : i32 to index
        %get3A_106 = arith.constant 48 : index
        %get3A_107 = tpu.vector_load %arg7[%get3A_105, %get3A_106] {strides = array<i32>} : memref<80x128xf32, #tpu.memory_space<vmem>>, vector<1x16xf32>,
        %get3A_108 = vector.shape_cast %get3A_107 : vector<1x16xf32> to vector<16xf32>
        %get3A_109 = arith.index_cast %mul3A_93 : i32 to index
        %get3A_110 = arith.constant 64 : index
        %get3A_111 = tpu.vector_load %arg7[%get3A_109, %get3A_110] {strides = array<i32>} : memref<80x128xf32, #tpu.memory_space<vmem>>, vector<1x16xf32>,
        %get3A_112 = vector.shape_cast %get3A_111 : vector<1x16xf32> to vector<16xf32>
        %get3A_113 = arith.index_cast %mul3A_93 : i32 to index
        %get3A_114 = arith.constant 80 : index
        %get3A_115 = tpu.vector_load %arg7[%get3A_113, %get3A_114] {strides = array<i32>} : memref<80x128xf32, #tpu.memory_space<vmem>>, vector<1x16xf32>,
        %get3A_116 = vector.shape_cast %get3A_115 : vector<1x16xf32> to vector<16xf32>
        %get3A_117 = arith.index_cast %mul3A_93 : i32 to index
        %get3A_118 = arith.constant 96 : index
        %get3A_119 = tpu.vector_load %arg7[%get3A_117, %get3A_118] {strides = array<i32>} : memref<80x128xf32, #tpu.memory_space<vmem>>, vector<1x16xf32>,
        %get3A_120 = vector.shape_cast %get3A_119 : vector<1x16xf32> to vector<16xf32>
        %get3A_121 = arith.index_cast %mul3A_93 : i32 to index
        %get3A_122 = arith.constant 112 : index
        %get3A_123 = tpu.vector_load %arg7[%get3A_121, %get3A_122] {strides = array<i32>} : memref<80x128xf32, #tpu.memory_space<vmem>>, vector<1x16xf32>,
        %get3A_124 = vector.shape_cast %get3A_123 : vector<1x16xf32> to vector<16xf32>
        %scan3A_125 = arith.constant 1 : i32
        %scan3A_126 = arith.constant 19 : i32
        %scan3A_127 = arith.addi %scan3A_125, %scan3A_126 : i32
        %scan3A_128 = arith.constant 1 : i32
        %scan3A_129:8 = scf.for %scan3A_170 = %scan3A_125 to %scan3A_127 step %scan3A_128 iter_args(%scan3A_171 = %get3A_96, %scan3A_172 = %get3A_100, %scan3A_173 = %get3A_104, %scan3A_174 = %get3A_108, %scan3A_175 = %get3A_112, %scan3A_176 = %get3A_116, %scan3A_177 = %get3A_120, %scan3A_178 = %get3A_124) -> (vector<16xf32>, vector<16xf32>, vector<16xf32>, vector<16xf32>, vector<16xf32>, vector<16xf32>, vector<16xf32>, vector<16xf32>)  : i32 {
          %add3A_179 = arith.addi %mul3A_93, %scan3A_170 : i32
          %get3A_180 = arith.index_cast %add3A_179 : i32 to index
          %get3A_181 = arith.constant 0 : index
          %get3A_182 = tpu.vector_load %arg7[%get3A_180, %get3A_181] {strides = array<i32>} : memref<80x128xf32, #tpu.memory_space<vmem>>, vector<1x16xf32>,
          %get3A_183 = vector.shape_cast %get3A_182 : vector<1x16xf32> to vector<16xf32>
          %add3A_184 = arith.addf %scan3A_171, %get3A_183 : vector<16xf32>
          %add3A_185 = arith.addi %mul3A_93, %scan3A_170 : i32
          %get3A_186 = arith.index_cast %add3A_185 : i32 to index
          %get3A_187 = arith.constant 16 : index
          %get3A_188 = tpu.vector_load %arg7[%get3A_186, %get3A_187] {strides = array<i32>} : memref<80x128xf32, #tpu.memory_space<vmem>>, vector<1x16xf32>,
          %get3A_189 = vector.shape_cast %get3A_188 : vector<1x16xf32> to vector<16xf32>
          %add3A_190 = arith.addf %scan3A_172, %get3A_189 : vector<16xf32>
          %add3A_191 = arith.addi %mul3A_93, %scan3A_170 : i32
          %get3A_192 = arith.index_cast %add3A_191 : i32 to index
          %get3A_193 = arith.constant 32 : index
          %get3A_194 = tpu.vector_load %arg7[%get3A_192, %get3A_193] {strides = array<i32>} : memref<80x128xf32, #tpu.memory_space<vmem>>, vector<1x16xf32>,
          %get3A_195 = vector.shape_cast %get3A_194 : vector<1x16xf32> to vector<16xf32>
          %add3A_196 = arith.addf %scan3A_173, %get3A_195 : vector<16xf32>
          %add3A_197 = arith.addi %mul3A_93, %scan3A_170 : i32
          %get3A_198 = arith.index_cast %add3A_197 : i32 to index
          %get3A_199 = arith.constant 48 : index
          %get3A_200 = tpu.vector_load %arg7[%get3A_198, %get3A_199] {strides = array<i32>} : memref<80x128xf32, #tpu.memory_space<vmem>>, vector<1x16xf32>,
          %get3A_201 = vector.shape_cast %get3A_200 : vector<1x16xf32> to vector<16xf32>
          %add3A_202 = arith.addf %scan3A_174, %get3A_201 : vector<16xf32>
          %add3A_203 = arith.addi %mul3A_93, %scan3A_170 : i32
          %get3A_204 = arith.index_cast %add3A_203 : i32 to index
          %get3A_205 = arith.constant 64 : index
          %get3A_206 = tpu.vector_load %arg7[%get3A_204, %get3A_205] {strides = array<i32>} : memref<80x128xf32, #tpu.memory_space<vmem>>, vector<1x16xf32>,
          %get3A_207 = vector.shape_cast %get3A_206 : vector<1x16xf32> to vector<16xf32>
          %add3A_208 = arith.addf %scan3A_175, %get3A_207 : vector<16xf32>
          %add3A_209 = arith.addi %mul3A_93, %scan3A_170 : i32
          %get3A_210 = arith.index_cast %add3A_209 : i32 to index
          %get3A_211 = arith.constant 80 : index
          %get3A_212 = tpu.vector_load %arg7[%get3A_210, %get3A_211] {strides = array<i32>} : memref<80x128xf32, #tpu.memory_space<vmem>>, vector<1x16xf32>,
          %get3A_213 = vector.shape_cast %get3A_212 : vector<1x16xf32> to vector<16xf32>
          %add3A_214 = arith.addf %scan3A_176, %get3A_213 : vector<16xf32>
          %add3A_215 = arith.addi %mul3A_93, %scan3A_170 : i32
          %get3A_216 = arith.index_cast %add3A_215 : i32 to index
          %get3A_217 = arith.constant 96 : index
          %get3A_218 = tpu.vector_load %arg7[%get3A_216, %get3A_217] {strides = array<i32>} : memref<80x128xf32, #tpu.memory_space<vmem>>, vector<1x16xf32>,
          %get3A_219 = vector.shape_cast %get3A_218 : vector<1x16xf32> to vector<16xf32>
          %add3A_220 = arith.addf %scan3A_177, %get3A_219 : vector<16xf32>
          %add3A_221 = arith.addi %mul3A_93, %scan3A_170 : i32
          %get3A_222 = arith.index_cast %add3A_221 : i32 to index
          %get3A_223 = arith.constant 112 : index
          %get3A_224 = tpu.vector_load %arg7[%get3A_222, %get3A_223] {strides = array<i32>} : memref<80x128xf32, #tpu.memory_space<vmem>>, vector<1x16xf32>,
          %get3A_225 = vector.shape_cast %get3A_224 : vector<1x16xf32> to vector<16xf32>
          %add3A_226 = arith.addf %scan3A_178, %get3A_225 : vector<16xf32>
          scf.yield %add3A_184, %add3A_190, %add3A_196, %add3A_202, %add3A_208, %add3A_214, %add3A_220, %add3A_226 : vector<16xf32>, vector<16xf32>, vector<16xf32>, vector<16xf32>, vector<16xf32>, vector<16xf32>, vector<16xf32>, vector<16xf32>
        }
        %scan3A_130 = arith.constant 19 : i32
        %swap3A = arith.index_cast %scan3A_91 : i32 to index
        %swap3A_131 = arith.constant 0 : index
        %swap3A_132 = tpu.vector_load %arg9[%swap3A, %swap3A_131] {strides = array<i32>} : memref<4x128xf32, #tpu.memory_space<vmem>>, vector<1x16xf32>,
        %swap3A_133 = vector.shape_cast %swap3A_132 : vector<1x16xf32> to vector<16xf32>
        %swap3A_134 = vector.shape_cast %scan3A_129#0 : vector<16xf32> to vector<1x16xf32>
        tpu.vector_store %arg9[%swap3A, %swap3A_131], %swap3A_134 {strides = array<i32>} : memref<4x128xf32, #tpu.memory_space<vmem>>, vector<1x16xf32>,
        %swap3A_135 = arith.index_cast %scan3A_91 : i32 to index
        %swap3A_136 = arith.constant 16 : index
        %swap3A_137 = tpu.vector_load %arg9[%swap3A_135, %swap3A_136] {strides = array<i32>} : memref<4x128xf32, #tpu.memory_space<vmem>>, vector<1x16xf32>,
        %swap3A_138 = vector.shape_cast %swap3A_137 : vector<1x16xf32> to vector<16xf32>
        %swap3A_139 = vector.shape_cast %scan3A_129#1 : vector<16xf32> to vector<1x16xf32>
        tpu.vector_store %arg9[%swap3A_135, %swap3A_136], %swap3A_139 {strides = array<i32>} : memref<4x128xf32, #tpu.memory_space<vmem>>, vector<1x16xf32>,
        %swap3A_140 = arith.index_cast %scan3A_91 : i32 to index
        %swap3A_141 = arith.constant 32 : index
        %swap3A_142 = tpu.vector_load %arg9[%swap3A_140, %swap3A_141] {strides = array<i32>} : memref<4x128xf32, #tpu.memory_space<vmem>>, vector<1x16xf32>,
        %swap3A_143 = vector.shape_cast %swap3A_142 : vector<1x16xf32> to vector<16xf32>
        %swap3A_144 = vector.shape_cast %scan3A_129#2 : vector<16xf32> to vector<1x16xf32>
        tpu.vector_store %arg9[%swap3A_140, %swap3A_141], %swap3A_144 {strides = array<i32>} : memref<4x128xf32, #tpu.memory_space<vmem>>, vector<1x16xf32>,
        %swap3A_145 = arith.index_cast %scan3A_91 : i32 to index
        %swap3A_146 = arith.constant 48 : index
        %swap3A_147 = tpu.vector_load %arg9[%swap3A_145, %swap3A_146] {strides = array<i32>} : memref<4x128xf32, #tpu.memory_space<vmem>>, vector<1x16xf32>,
        %swap3A_148 = vector.shape_cast %swap3A_147 : vector<1x16xf32> to vector<16xf32>
        %swap3A_149 = vector.shape_cast %scan3A_129#3 : vector<16xf32> to vector<1x16xf32>
        tpu.vector_store %arg9[%swap3A_145, %swap3A_146], %swap3A_149 {strides = array<i32>} : memref<4x128xf32, #tpu.memory_space<vmem>>, vector<1x16xf32>,
        %swap3A_150 = arith.index_cast %scan3A_91 : i32 to index
        %swap3A_151 = arith.constant 64 : index
        %swap3A_152 = tpu.vector_load %arg9[%swap3A_150, %swap3A_151] {strides = array<i32>} : memref<4x128xf32, #tpu.memory_space<vmem>>, vector<1x16xf32>,
        %swap3A_153 = vector.shape_cast %swap3A_152 : vector<1x16xf32> to vector<16xf32>
        %swap3A_154 = vector.shape_cast %scan3A_129#4 : vector<16xf32> to vector<1x16xf32>
        tpu.vector_store %arg9[%swap3A_150, %swap3A_151], %swap3A_154 {strides = array<i32>} : memref<4x128xf32, #tpu.memory_space<vmem>>, vector<1x16xf32>,
        %swap3A_155 = arith.index_cast %scan3A_91 : i32 to index
        %swap3A_156 = arith.constant 80 : index
        %swap3A_157 = tpu.vector_load %arg9[%swap3A_155, %swap3A_156] {strides = array<i32>} : memref<4x128xf32, #tpu.memory_space<vmem>>, vector<1x16xf32>,
        %swap3A_158 = vector.shape_cast %swap3A_157 : vector<1x16xf32> to vector<16xf32>
        %swap3A_159 = vector.shape_cast %scan3A_129#5 : vector<16xf32> to vector<1x16xf32>
        tpu.vector_store %arg9[%swap3A_155, %swap3A_156], %swap3A_159 {strides = array<i32>} : memref<4x128xf32, #tpu.memory_space<vmem>>, vector<1x16xf32>,
        %swap3A_160 = arith.index_cast %scan3A_91 : i32 to index
        %swap3A_161 = arith.constant 96 : index
        %swap3A_162 = tpu.vector_load %arg9[%swap3A_160, %swap3A_161] {strides = array<i32>} : memref<4x128xf32, #tpu.memory_space<vmem>>, vector<1x16xf32>,
        %swap3A_163 = vector.shape_cast %swap3A_162 : vector<1x16xf32> to vector<16xf32>
        %swap3A_164 = vector.shape_cast %scan3A_129#6 : vector<16xf32> to vector<1x16xf32>
        tpu.vector_store %arg9[%swap3A_160, %swap3A_161], %swap3A_164 {strides = array<i32>} : memref<4x128xf32, #tpu.memory_space<vmem>>, vector<1x16xf32>,
        %swap3A_165 = arith.index_cast %scan3A_91 : i32 to index
        %swap3A_166 = arith.constant 112 : index
        %swap3A_167 = tpu.vector_load %arg9[%swap3A_165, %swap3A_166] {strides = array<i32>} : memref<4x128xf32, #tpu.memory_space<vmem>>, vector<1x16xf32>,
        %swap3A_168 = vector.shape_cast %swap3A_167 : vector<1x16xf32> to vector<16xf32>
        %swap3A_169 = vector.shape_cast %scan3A_129#7 : vector<16xf32> to vector<1x16xf32>
        tpu.vector_store %arg9[%swap3A_165, %swap3A_166], %swap3A_169 {strides = array<i32>} : memref<4x128xf32, #tpu.memory_space<vmem>>, vector<1x16xf32>,
      }
      %scan3A_76 = arith.constant 4 : i32
      %add3A_77 = arith.constant 2 : i32
      %add3A_78 = arith.addi %add3A_60, %add3A_77 : i32
      %lt3A_79 = arith.constant 128 : i32
      %lt3A_80 = arith.cmpi slt, %add3A_78, %lt3A_79 : i32
      %convert_element_type3A_81 = arith.extui %lt3A_80 : i1 to i32
      %cond3A_82 = arith.constant 0 : i32
      %cond3A_83 = arith.cmpi ne, %convert_element_type3A_81, %cond3A_82 : i32
      scf.if %cond3A_83 {
        %add3A_91 = arith.constant 2 : i32
        %add3A_92 = arith.addi %add3A_60, %add3A_91 : i32
        %mul3A_93 = arith.constant 80 : i32
        %mul3A_94 = arith.muli %add3A_92, %mul3A_93 : i32
        %dma_start3A_95 = tpu.memref_slice %arg5[%mul3A_94] : memref<10240xi32, #tpu.memory_space<vmem>> -> memref<80xi32, #tpu.memory_space<vmem>>
        %dma_start3A_96 = arith.constant 0 : i32
        %dma_start3A_97 = arith.constant 0 : i32
        %dma_start3A_98 = tpu.memref_slice %arg3[%dma_start3A_96, %dma_start3A_97] : memref<100000x128xf32, #tpu.memory_space<hbm>> -> memref<100000x128xf32, #tpu.memory_space<hbm>>
        tpu.enqueue_indirect_dma source(%dma_start3A_98 : memref<100000x128xf32, #tpu.memory_space<hbm>>) target(%arg7 : memref<80x128xf32, #tpu.memory_space<vmem>>) offsets(%dma_start3A_95 : memref<80xi32, #tpu.memory_space<vmem>>) semaphore(%arg11 : memref<!tpu.dma_semaphore, #tpu.memory_space<semaphore_mem>>)
      } else {
      }
      %mul3A_84 = arith.constant 4 : i32
      %mul3A_85 = arith.muli %add3A_60, %mul3A_84 : i32
      %add3A_86 = arith.addi %mul3A_4, %mul3A_85 : i32
      %dma_start3A_87 = arith.constant 0 : i32
      %dma_start3A_88 = tpu.memref_slice %arg4[%add3A_86, %dma_start3A_87] : memref<16384x128xf32, #tpu.memory_space<hbm>> -> memref<4x128xf32, #tpu.memory_space<hbm>>
      %dma_start3A_89 = arith.constant 0 : i32
      %dma_start3A_90 = tpu.memref_slice %arg4[%add3A_86, %dma_start3A_89] : memref<16384x128xf32, #tpu.memory_space<hbm>> -> memref<4x128xf32, #tpu.memory_space<hbm>>
      tpu.enqueue_dma source(%arg9 : memref<4x128xf32, #tpu.memory_space<vmem>>) target(%dma_start3A_90 : memref<4x128xf32, #tpu.memory_space<hbm>>) target_semaphore(%arg13 : memref<!tpu.dma_semaphore, #tpu.memory_space<semaphore_mem>>)
    }
    %scan3A_18 = arith.constant 64 : i32
    %dma_wait3A = arith.constant 0 : i32
    %dma_wait3A_19 = tpu.memref_slice %arg4[%mul3A_4, %dma_wait3A] : memref<16384x128xf32, #tpu.memory_space<hbm>> -> memref<4x128xf32, #tpu.memory_space<hbm>>
    %dma_wait3A_20 = arith.constant 0 : i32
    %dma_wait3A_21 = tpu.memref_slice %arg4[%mul3A_4, %dma_wait3A_20] : memref<16384x128xf32, #tpu.memory_space<hbm>> -> memref<4x128xf32, #tpu.memory_space<hbm>>
    tpu.wait_dma2 semaphore(%arg12 : memref<!tpu.dma_semaphore, #tpu.memory_space<semaphore_mem>>) src(%arg8 : memref<4x128xf32, #tpu.memory_space<vmem>>) dst(%dma_wait3A_21 : memref<4x128xf32, #tpu.memory_space<hbm>>)
    %dma_wait3A_22 = arith.constant 0 : i32
    %dma_wait3A_23 = tpu.memref_slice %arg4[%mul3A_4, %dma_wait3A_22] : memref<16384x128xf32, #tpu.memory_space<hbm>> -> memref<4x128xf32, #tpu.memory_space<hbm>>
    %dma_wait3A_24 = arith.constant 0 : i32
    %dma_wait3A_25 = tpu.memref_slice %arg4[%mul3A_4, %dma_wait3A_24] : memref<16384x128xf32, #tpu.memory_space<hbm>> -> memref<4x128xf32, #tpu.memory_space<hbm>>
    tpu.wait_dma2 semaphore(%arg13 : memref<!tpu.dma_semaphore, #tpu.memory_space<semaphore_mem>>) src(%arg9 : memref<4x128xf32, #tpu.memory_space<vmem>>) dst(%dma_wait3A_25 : memref<4x128xf32, #tpu.memory_space<hbm>>)
    return
  }
}

module attributes {stable_mosaic.version = 14 : i64} {
  func.func @_mm_body(%arg0: i32, %arg1: memref<1000x128xf32, #tpu.memory_space<vmem>>, %arg2: memref<512x128xf32, #tpu.memory_space<vmem>>, %arg3: memref<1000x1xf32, #tpu.memory_space<vmem>>, %arg4: memref<1000x512xf32, #tpu.memory_space<vmem>>) attributes {dimension_semantics = [#tpu.dimension_semantics<arbitrary>], iteration_bounds = array<i64: 32>, scalar_prefetch = 0 : i64, scratch_operands = 0 : i64, tpu.core_type = #tpu.core_type<tc>, window_params = [{pipeline_mode = #tpu.pipeline_mode<synchronous>, transform_indices = @transform_0, window_bounds = array<i64: 1000, 128>}, {transform_indices = @transform_1, window_bounds = array<i64: 512, 128>}, {pipeline_mode = #tpu.pipeline_mode<synchronous>, transform_indices = @transform_2, window_bounds = array<i64: 1000, 1>}, {transform_indices = @transform_3, window_bounds = array<i64: 1000, 512>}]} {
    %get3A = arith.constant 0 : index
    %get3A_0 = arith.constant 0 : index
    %get3A_1 = vector.load %arg1[%get3A, %get3A_0] : memref<1000x128xf32, #tpu.memory_space<vmem>>, vector<1000x128xf32>
    %convert_element_type3A = arith.truncf %get3A_1 : vector<1000x128xf32> to vector<1000x128xbf16>
    %get3A_2 = arith.constant 0 : index
    %get3A_3 = arith.constant 0 : index
    %get3A_4 = vector.load %arg2[%get3A_2, %get3A_3] : memref<512x128xf32, #tpu.memory_space<vmem>>, vector<512x128xf32>
    %convert_element_type3A_5 = arith.truncf %get3A_4 : vector<512x128xf32> to vector<512x128xbf16>
    %dot_general3A = arith.constant dense<0.000000e+00> : vector<1000x512xf32>
    %dot_general3A_6 = tpu.matmul %convert_element_type3A, %convert_element_type3A_5, %dot_general3A {dimension_numbers = #tpu.dot_dimension_numbers<[1], [1], [0], [0], [0, 0, 1, 0], [], []>, transpose_lhs_hint = false} : vector<1000x128xbf16>, vector<512x128xbf16>, vector<1000x512xf32> -> vector<1000x512xf32>
    %mul3A = arith.constant 5.000000e-02 : f32
    %mul3A_7 = vector.broadcast %mul3A : f32 to vector<1000x512xf32>
    %mul3A_8 = arith.mulf %dot_general3A_6, %mul3A_7 : vector<1000x512xf32>
    %get3A_9 = arith.constant 0 : index
    %get3A_10 = arith.constant 0 : index
    %get3A_11 = vector.load %arg3[%get3A_9, %get3A_10] : memref<1000x1xf32, #tpu.memory_space<vmem>>, vector<1000x1xf32>
    %add3A = vector.broadcast %get3A_11 : vector<1000x1xf32> to vector<1000x512xf32>
    %add3A_12 = arith.addf %mul3A_8, %add3A : vector<1000x512xf32>
    %swap3A = arith.constant 0 : index
    %swap3A_13 = arith.constant 0 : index
    %swap3A_14 = vector.load %arg4[%swap3A, %swap3A_13] : memref<1000x512xf32, #tpu.memory_space<vmem>>, vector<1000x512xf32>
    tpu.vector_store %arg4[%swap3A, %swap3A_13], %add3A_12 {strides = array<i32>} : memref<1000x512xf32, #tpu.memory_space<vmem>>, vector<1000x512xf32>,
    return
  }
  func.func @transform_0(%arg0: i32) -> (i32, i32) {
    %c0_i32 = arith.constant 0 : i32
    %c0_i32_0 = arith.constant 0 : i32
    %c0_i32_1 = arith.constant 0 : i32
    return %c0_i32, %c0_i32_0 : i32, i32
  }
  func.func @transform_1(%arg0: i32) -> (i32, i32) {
    %c0_i32 = arith.constant 0 : i32
    %c0_i32_0 = arith.constant 0 : i32
    return %arg0, %c0_i32 : i32, i32
  }
  func.func @transform_2(%arg0: i32) -> (i32, i32) {
    %c0_i32 = arith.constant 0 : i32
    %c0_i32_0 = arith.constant 0 : i32
    %c0_i32_1 = arith.constant 0 : i32
    return %c0_i32, %c0_i32_0 : i32, i32
  }
  func.func @transform_3(%arg0: i32) -> (i32, i32) {
    %c0_i32 = arith.constant 0 : i32
    %c0_i32_0 = arith.constant 0 : i32
    return %c0_i32, %arg0 : i32, i32
  }
}

</mosaic_0001>

<sc_bundles>
// kernel: kernel.4.cloned.1.call-start
scs
__scs_entry_jumppad:
0x0: {  	(pc) =	sbr.rel $0x88, $3  }
0x1: {  	(tag) =	ssettag $0x0;
	lr =	simm.s32 $0x1  }
0x2: {  	[smem:$0x3F9D] =	sst lr;
	_ =	strace $0xD0000000  }
0x3: {  	_ = 	snop  }
0x4: {  	_ = 	snop  }
0x5: {  	_ = 	snop  }
0x6: {  	_ = 	snop  }
0x7: {  	_ = 	snop  }
__scs_overlays_trampoline_lowered:
0x8: {  	[smem:$0x3FAC] =	sst s0  }
0x9: {  	[smem:$0x3FAD] =	sst s1  }
0xa: {  	[smem:$0x3FAE] =	sst s2  }
0xb: {  	[smem:$0x3FAF] =	sst s3  }
0xc: {  	[smem:$0x3FB0] =	sst s4  }
0xd: {  	[smem:$0x3FB1] =	sst s5  }
0xe: {  	[smem:$0x3FB2] =	sst s6  }
0xf: {  	[smem:$0x3FB3] =	sst s7  }
0x10: {  	[smem:$0x3FB4] =	sst s8  }
0x11: {  	[smem:$0x3FB5] =	sst s9;
	s0 =	simm.s32 @!p0 $0x0  }
0x12: {  	s1 =	sld [smem:$0x3F9B];
	s0 =	simm.s32 @p0 $0x1  }
0x13: {  	[smem:$0x3FB6] =	sst s0;
	s0 =	simm.s32 @!p1 $0x0  }
0x14: {  	s2 =	sld [smem:$0x3F9A];
	s0 =	simm.s32 @p1 $0x1  }
0x15: {  	[smem:$0x3FB7] =	sst s0;
	s0 =	simm.s32 @!p2 $0x0  }
0x16: {  	s3 =	sld [smem:$0x3FDB];
	s0 =	simm.s32 @p2 $0x1  }
0x17: {  	s4 =	simm.s32 $0x1BF5;
	[smem:$0x3FB9] =	sst s0  }
0x18: {  	s0 =	sld [smem:$0x3F9C];
	_ =	swait.ge [sflag:s4], $0x0  }
0x19: {  	s7 =	sld [smem:$0x3F9D]  }
0x1a: {  	s8 =	sadd.s32 $0xFFFFE003, lr  }
0x1b: {  	s9 =	sadd.s32 $0xFFFFFEF7, lr;
	s5 =	simm.s32 $0xFFFFFFFF;
	p2 =	slt.u32 s8, $0xFFFFF086  }
0x1c: {  	p1 =	slt.u32 s9, $0xF7A;
	s5 =	simm.s32 @!p2 $0x0  }
0x1d: {  	s5 =	simm.s32 @p1 $0x1;
	p0 =	seq.s32 s7, s2  }
0x1e: {  	s7 =	smul.u32 @!p0 $0xF7A, s2;
	p2 =	seq.s32 @!p0 s5, $0x0  }
0x1f: {  	s9 =	smul.u32 $0xF7A, s1;
	s8 =	simm.s32 @!p0 $0x1BF5;
	p2 =	por !p2, p0  }
0x20: {  	[sflag:s8] =	ssyncset.s32 @!p0 $0xFFFFF086;
	s6 =	sadd.s32 @!p0 s3, s7;
	s7 =	simm.s32 @!p0 $0x108  }
0x21: {  	s3 =	sadd.s32 s3, s9;
	s6 =	sadd.s32 @!p0 $0x88, s6;
	s7 =	simm.s32 @p2 $0x1082  }
0x22: {  	[simem:s7], [sflag:s8] =	dma.local @!p0 [hbm:s6], $0xF7A  }
0x23: {  	s9 =	sor.u32 $0xD0000000, s2;
	s6 =	simm.s32 $0x108;
	_ =	swait.ge @!p0 [sflag:s8], $0x0  }
0x24: {  	s3 =	sadd.s32 $0x88, s3;
	s6 =	simm.s32 @!p1 $0x1082;
	[sflag:s4] =	ssyncset.s32 $0xFFFFF086  }
0x25: {  	[simem:s6], [sflag:s4] =	dma.local [hbm:s3], $0xF7A  }
0x26: {  	[smem:$0x3F9D] =	sst s1;
	(tag) =	ssettag s2;
	_ =	strace s9  }
0x27: {  	s1 =	sld [smem:$0x3FAD]  }
0x28: {  	s2 =	sld [smem:$0x3FAE]  }
0x29: {  	s4 =	sld [smem:$0x3FB0]  }
0x2a: {  	p0 =	seq.s32 s5, $0x0;
	s5 =	sld [smem:$0x3FB1]  }
0x2b: {  	s6 =	sld [smem:$0x3FB2]  }
0x2c: {  	s7 =	sld [smem:$0x3FB3]  }
0x2d: {  	s3 =	simm.s32 $0x108;
	s8 =	sld [smem:$0x3FB4]  }
0x2e: {  	s3 =	simm.s32 @!p0 $0x1082;
	s9 =	sld [smem:$0x3FB5]  }
0x2f: {  	lr =	sadd.s32 s0, s3;
	s0 =	sld [smem:$0x3FAC]  }
0x30: {  	s3 =	sld [smem:$0x3FAF]  }
0x31: {  	[smem:$0x3FB8] =	sst s10  }
0x32: {  	s10 =	sld [smem:$0x3FB6];
	_ =	sdelay $0x3  }
0x33: {  	p0 =	seq.s32 s10, $0x1;
	s10 =	sld [smem:$0x3FB8];
	_ =	sdelay $0x3  }
0x34: {  	[smem:$0x3FB8] =	sst s10  }
0x35: {  	s10 =	sld [smem:$0x3FB7];
	_ =	sdelay $0x3  }
0x36: {  	p1 =	seq.s32 s10, $0x1;
	s10 =	sld [smem:$0x3FB8];
	_ =	sdelay $0x3  }
0x37: {  	[smem:$0x3FB8] =	sst s10  }
0x38: {  	s10 =	sld [smem:$0x3FB9]  }
0x39: {  	_ = 	snop;
	(pc) =	sbr.ind lr, $3  }
0x3a: {  	_ = 	snop  }
0x3b: {  	_ = 	snop  }
0x3c: {  	p2 =	seq.s32 s10, $0x1;
	s10 =	sld [smem:$0x3FB8]  }
0x3d: {  	_ =	shalt  }
0x3e: {  	_ =	shalt  }
0x3f: {  	_ =	shalt  }
0x40: {  	_ =	shalt  }
0x41: {  	_ =	shalt  }
0x42: {  	_ =	shalt  }
0x43: {  	_ =	shalt  }
0x44: {  	_ =	shalt  }
0x45: {  	_ =	shalt  }
0x46: {  	_ =	shalt  }
0x47: {  	_ =	shalt  }
0x48: {  	_ =	shalt  }
0x49: {  	_ =	shalt  }
0x4a: {  	_ =	shalt  }
0x4b: {  	_ =	shalt  }
0x4c: {  	_ =	shalt  }
0x4d: {  	_ =	shalt  }
0x4e: {  	_ =	shalt  }
0x4f: {  	_ =	shalt  }
0x50: {  	_ =	shalt  }
0x51: {  	_ =	shalt  }
0x52: {  	_ =	shalt  }
0x53: {  	_ =	shalt  }
0x54: {  	_ =	shalt  }
0x55: {  	_ =	shalt  }
0x56: {  	_ =	shalt  }
0x57: {  	_ =	shalt  }
0x58: {  	_ =	shalt  }
0x59: {  	_ =	shalt  }
0x5a: {  	_ =	shalt  }
0x5b: {  	_ =	shalt  }
0x5c: {  	_ =	shalt  }
0x5d: {  	_ =	shalt  }
0x5e: {  	_ =	shalt  }
0x5f: {  	_ =	shalt  }
0x60: {  	_ =	shalt  }
0x61: {  	_ =	shalt  }
0x62: {  	_ =	shalt  }
0x63: {  	_ =	shalt  }
0x64: {  	_ =	shalt  }
0x65: {  	_ =	shalt  }
0x66: {  	_ =	shalt  }
0x67: {  	_ =	shalt  }
0x68: {  	_ =	shalt  }
0x69: {  	_ =	shalt  }
0x6a: {  	_ =	shalt  }
0x6b: {  	_ =	shalt  }
0x6c: {  	_ =	shalt  }
0x6d: {  	_ =	shalt  }
0x6e: {  	_ =	shalt  }
0x6f: {  	_ =	shalt  }
0x70: {  	_ =	shalt  }
0x71: {  	_ =	shalt  }
0x72: {  	_ =	shalt  }
0x73: {  	_ =	shalt  }
0x74: {  	_ =	shalt  }
0x75: {  	_ =	shalt  }
0x76: {  	_ =	shalt  }
0x77: {  	_ =	shalt  }
0x78: {  	_ =	shalt  }
0x79: {  	_ =	shalt  }
0x7a: {  	_ =	shalt  }
0x7b: {  	_ =	shalt  }
0x7c: {  	_ =	shalt  }
0x7d: {  	_ =	shalt  }
0x7e: {  	_ =	shalt  }
0x7f: {  	_ =	shalt  }
0x80: {  	_ =	shalt  }
0x81: {  	_ =	shalt  }
0x82: {  	_ =	shalt  }
0x83: {  	_ =	shalt  }
0x84: {  	_ =	shalt  }
0x85: {  	_ =	shalt  }
0x86: {  	_ =	shalt  }
0x87: {  	_ =	shalt  }
.Lfunc_end0:
.L_simem_size_0:
called_computation_lowered:
.L_overlay_start_0:
0x88: {  	s2 =	sld [smem:$0x3FD9]  }
0x89: {  	s3 =	sld [smem:$0x3FFE];
	_ =	sdelay $0x1  }
0x8a: {  	s1 =	srdreg.scid  }
0x8b: {  	s0 =	sand.u32 $0x1, s1  }
0x8c: {  	s17 =	sshll.u32 s0, $0xA;
	s2 =	sadd.s32 s3, s2  }
0x8d: {  	s2 =	sadd.s32 s2, s17  }
0x8e: {  	[smem:$0x3FC4] =	sst s2  }
0x8f: {  	_ = 	snop  }
0x90: {  	s2 =	sld [smem:$0x3FC8]  }
0x91: {  	s18 =	sld [smem:$0x3FD0];
	(tm) =	ssettm $0x1  }
0x92: {  	s4 =	sld [smem:$0x3FFB];
	_ =	sdelay $0x3  }
0x93: {  	_ =	strace s4  }
0x94: {  	s4 =	sld [smem:$0x3FFC];
	_ =	sdelay $0x3  }
0x95: {  	_ =	strace s4  }
0x96: {  	s4 =	sld [smem:$0x3FFD];
	_ =	sdelay $0x3  }
0x97: {  	_ =	strace s4  }
0x98: {  	_ =	strace $0x8FFFFFFF  }
0x99: {  	s19 =	sld [smem:$0x3FDB];
	_ =	sdelay $0x1  }
0x9a: {  	s5 =	simm.s32 $_scs_section_size  }
0x9b: {  	s6 =	simm.s32 $_size__tile_overlayer_lowered;
	s7 =	simm.s32 $_tile_overlayer_lowered  }
0x9c: {  	s22 =	simm.s32 $0x1BFF;
	s21 =	sshll.u32 s7, $0x1;
	s4 =	sadd.s32 s5, s19  }
0x9d: {  	s8 =	simm.s32 $0x0;
	s20 =	sshll.u32 s6, $0x1;
	s6 =	sadd.s32 s21, s4  }
0x9e: {  	[timem:s8], [sflag:s22] =	dma.local [hbm:s6], s20  }
0x9f: {  	_ =	swait.ge [sflag:s22], s20  }
0xa0: {  	s5 =	ssub.s32 $0x0, s20;
	[sflag:s22] =	ssyncset.done $0x0  }
0xa1: {  	[sflag:s22] =	ssyncadd.s32 s5;
	_ =	sdelay $0x1  }
0xa2: {  	s23 =	simm.s32 $0x1B8B  }
0xa3: {  	_ =	swait.ge [sflag:s23], $0x1  }
0xa4: {  	[sflag:s23] =	ssyncset.done $0x0  }
0xa5: {  	s25 =	simm.s32 $0x1B8E;
	s24 =	sld [smem:$0x3FFE];
	[sflag:s23] =	ssyncadd.s32 $0xFFFFFFFF  }
0xa6: {  	s26 =	simm.s32 $execute0_lowered;
	[smem:$0x3FD2] =	sst s25  }
0xa7: {  	s6 =	sshll.u32 s26, $0x1;
	_ =	strace $0x80000046;
	[dreg:$0x1] =	wrdreg $0xFFFFFFFF  }
0xa8: {  	s28 =	simm.s32 $_size_execute0_lowered;
	s4 =	sadd.s32 s4, s6;
	[dreg:$0x0] =	wrdreg $0x0  }
0xa9: {  	s6 =	sshll.u32 s28, $0x1;
	[dreg:$0x2] =	wrdreg s4  }
0xaa: {  	[dreg:$0x3] =	wrdreg s6  }
0xab: {  	[dreg:$0x4] =	wrdreg $0xC0  }
0xac: {  	_ =	task [dreg:s8], $0x5FFFF  }
0xad: {  	[dreg:$0x1] =	wrdreg $0xFFFFFFFF  }
0xae: {  	[dreg:$0x0] =	wrdreg $0x60  }
0xaf: {  	[dreg:$0x2] =	wrdreg s24  }
0xb0: {  	[dreg:$0x3] =	wrdreg s2  }
0xb1: {  	[dreg:$0x4] =	wrdreg s18  }
0xb2: {  	[dreg:$0x5] =	wrdreg $0x9  }
0xb3: {  	_ =	task.clear_ibuf [dreg:s8], $0x6FFFF;
	_ =	strace $0x90000046  }
0xb4: {  	s29 =	simm.s32 $0x9;
	_ =	strace $0x80000048  }
0xb5: {  	_ =	swait.ge [sflag:s29], $0x1  }
0xb6: {  	[sflag:s29] =	ssyncadd.s32 $0xFFFFFFFF  }
0xb7: {  	_ =	strace $0x90000048  }
0xb8: {  	_ =	sfence  }
0xb9: {  	s30 =	sld [smem:$0x0];
	_ =	sdelay $0x2  }
0xba: {  	s31 =	sshll.u32 s1, $0xD;
	s1 =	sshrl.u32 s1, $0x2  }
0xbb: {  	s3 =	sand.u32 $0x4000, s31;
	s1 =	sadd.s32 s1, s30  }
0xbc: {  	s0 =	sor.u32 s3, s0;
	s1 =	sshll.u32 s1, $0x11  }
0xbd: {  	s0 =	sor.u32 s1, s0  }
0xbe: {  	s0 =	sadd.s32 $0x8F2B, s0  }
0xbf: {  	[sflag:s0] =	ssyncadd.remote.s32 $0x1  }
0xc0: {  	_ =	sfence.sel $0xFFFF  }
0xc1: {  	[dreg:$0x0] =	wrdreg $0xFFFFFFFF;
	(pc) =	sbr.abs _section_cstart, $3  }
0xc2: {  	[dreg:$0x1] =	wrdreg $0xFFFFFFFF  }
0xc3: {  	_ =	task.clear_ibuf [dreg:s8], $0x2FFFF;
	_ =	strace $0x9FFFFFFF  }
0xc4: {  	(tm) =	ssettm $0x7FFFFFFF  }
0xc5: {  	_ =	shalt  }
tec
execute0_lowered:
.L_overlay_start_1:
0x0: {  	(tag) =	ssettag $0x1  }
0x1: {  	s4 =	rddreg [dreg:$0x0]  }
0x2: {  	s2 =	rddreg [dreg:$0x1];
	s1 =	srdreg.scid  }
0x3: {  	s0 =	stileid.u32;
	s5 =	rddreg [dreg:$0x2];
	s3 =	simm.s32 $0x0  }
0x4: {  	s9 =	simm.s32 $0x2800;
	s10 =	simm.s32 $0x5000;
	s11 =	simm.s32 $0x1  }
0x5: {  	s12 =	simm.s32 $0x7800;
	s13 =	simm.s32 $0x2;
	s14 =	simm.s32 $0x7A00  }
0x6: {  	s15 =	simm.s32 $0x3;
	s16 =	simm.s32 $0x4;
	s17 =	simm.s32 $0x0  }
0x7: {  	s25 =	simm.s32 $0xF0;
	s6 =	sand.u32 $0x1, s1;
	s7 =	sshll.u32 s0, $0x1  }
0x8: {  	s1 =	rddreg [dreg:$0x3];
	s7 =	sor.u32 s6, s7;
	s6 =	ssub.s32 $0x2, s6  }
0x9: {  	[smem:$0x7FF] =	sst s3;
	s8 =	smul.u32 $0x500, s7;
	s31 =	sshrl.u32 s6, $0x1  }
0xa: {  	_ =	strace $0x80000047;
	s7 =	sshll.u32 s7, $0xD;
	s6 =	ssub.s32 s6, s31  }
0xb: {  	s5 =	sadd.s32 s5, s7;
	s7 =	simm.s32 $0x5;
	s4 =	sadd.s32 s8, s4  }
0xc: {  	s6 =	smax.u32 s6, $0x1;
	s8 =	simm.s32 $0x50;
	s4 =	sadd.s32 $0xA00, s4  }
.LBB2_1:
0xd: {  	[tilespmem:s3], [sflag:$0x5] =	stream.linear.gather [hbm4b:s4+s3], $0x2800, $0x38;
	[tilespmem:$0x7C00] =	vst v63  }
0xe: {  	_ =	swait.ge [sflag:s7], $0x2800  }
0xf: {  	[sflag:s7] =	ssyncset.done $0x0  }
0x10: {  	[sflag:s7] =	ssyncadd.s32 $0xFFFFD800  }
0x11: {  	[tilespmem:s9], [sflag:$0x1] =	stream.indirect.gather [hbm4b:s2+s8], $0x80, s3, s8, $0xb8;
	[tilespmem:$0x7C00] =	vst v63  }
0x12: {  	s18 =	simm.s32 $0x0  }
0x13: {  	[tilespmem:s10], [sflag:$0x2] =	stream.indirect.gather [hbm4b:s2+s8], $0x80, s8, s8, $0xb8;
	[tilespmem:$0x7C00] =	vst v63  }
.LBB2_2:
0x14: {  	_ =	swait.ge [sflag:s11], $0x2800  }
0x15: {  	p0 =	seq.s32 s18, $0x0;
	[sflag:s11] =	ssyncset.done $0x0  }
0x16: {  	s19 =	simm.s32 @!p0 $0x3;
	[sflag:s11] =	ssyncadd.s32 $0xFFFFD800  }
0x17: {  	_ =	swait.ge @!p0 [sflag:s19], $0x200  }
0x18: {  	[sflag:s19] =	ssyncset.done @!p0 $0x0  }
0x19: {  	s20 =	simm.s32 $0x2800;
	[sflag:s19] =	ssyncadd.s32 @!p0 $0xFFFFFE00;
	s19 =	simm.s32 $0x0  }
.LBB2_3:
0x1a: {  	s21 =	smul.u32 $0x2800, s19;
	_ =	sdelay $0x1  }
0x1b: {  	s21 =	sshra.s32 s21, $0x2  }
0x1c: {  	v10 =	vld [tilespmem:s21+$0x2800]  }
0x1d: {  	v7 =	vld [tilespmem:s21+$0x2810]  }
0x1e: {  	v6 =	vld [tilespmem:s21+$0x2820]  }
0x1f: {  	v5 =	vmov s20;
	v4 =	vld [tilespmem:s21+$0x2830]  }
0x20: {  	v3 =	vld [tilespmem:s21+$0x2840]  }
0x21: {  	v1 =	vld [tilespmem:s21+$0x2850]  }
0x22: {  	v0 =	vld [tilespmem:s21+$0x2860]  }
0x23: {  	s23 =	simm.s32 $0xF0;
	v2 =	vld [tilespmem:s21+$0x2870]  }
0x24: {  	v14 =	vld.idx.msk [tilespmem:v5+s23+$0x0 ss:$0x1], $0xffff  }
0x25: {  	v15 =	vld.idx.msk [tilespmem:v5+s23+$0xFFFFFF90 ss:$0x1], $0xffff  }
0x26: {  	v13 =	vld.idx.msk [tilespmem:v5+s23+$0xFFFFFFA0 ss:$0x1], $0xffff  }
0x27: {  	v12 =	vld.idx.msk [tilespmem:v5+s23+$0xFFFFFFB0 ss:$0x1], $0xffff  }
0x28: {  	v11 =	vld.idx.msk [tilespmem:v5+s23+$0xFFFFFFC0 ss:$0x1], $0xffff  }
0x29: {  	v9 =	vld.idx.msk [tilespmem:v5+s23+$0xFFFFFFD0 ss:$0x1], $0xffff  }
0x2a: {  	v8 =	vld.idx.msk [tilespmem:v5+s23+$0xFFFFFFE0 ss:$0x1], $0xffff  }
0x2b: {  	s22 =	simm.s32 $0x7C0;
	s21 =	simm.s32 $0x170;
	v2 =	vadd.f32 v14, v2;
	v14 =	vadd.f32 v15, v10;
	v10 =	vld.idx.msk [tilespmem:v5+s23+$0xFFFFFFF0 ss:$0x1], $0xffff  }
.LBB2_4:
0x2c: {  	p1 =	sne.s32 s22, $0x27C0;
	v15 =	vld.idx.msk [tilespmem:v5+s21+$0x0 ss:$0x1], $0xffff;
	v7 =	vadd.f32 v13, v7  }
0x2d: {  	v6 =	vadd.f32 v12, v6;
	v16 =	vld.idx.msk [tilespmem:v5+s21+$0xFFFFFF90 ss:$0x1], $0xffff  }
0x2e: {  	v4 =	vadd.f32 v11, v4;
	v13 =	vld.idx.msk [tilespmem:v5+s21+$0xFFFFFFA0 ss:$0x1], $0xffff  }
.Ltmp0:
0x2f: {  	v3 =	vadd.f32 v9, v3;
	v12 =	vld.idx.msk [tilespmem:v5+s21+$0xFFFFFFB0 ss:$0x1], $0xffff;
	(pc) =	sbr.rel @p1 .LBB2_4-.Ltmp0, $4  }
0x30: {  	v1 =	vadd.f32 v8, v1;
	v11 =	vld.idx.msk [tilespmem:v5+s21+$0xFFFFFFC0 ss:$0x1], $0xffff  }
0x31: {  	v0 =	vadd.f32 v10, v0;
	v9 =	vld.idx.msk [tilespmem:v5+s21+$0xFFFFFFD0 ss:$0x1], $0xffff  }
0x32: {  	v2 =	vadd.f32 v15, v2;
	v8 =	vld.idx.msk [tilespmem:v5+s21+$0xFFFFFFE0 ss:$0x1], $0xffff  }
0x33: {  	v14 =	vadd.f32 v16, v14;
	v10 =	vld.idx.msk [tilespmem:v5+s21+$0xFFFFFFF0 ss:$0x1], $0xffff;
	s21 =	sshra.s32 s22, $0x2;
	s22 =	sadd.s32 $0x200, s22  }
0x34: {  	_ =	sdelay $0x3  }
0x35: {  	v16 =	vld.idx.msk [tilespmem:v5+s21+$0xFFFFFF90 ss:$0x1], $0xffff  }
0x36: {  	v17 =	vld.idx.msk [tilespmem:v5+s21+$0xFFFFFFA0 ss:$0x1], $0xffff  }
0x37: {  	v18 =	vld.idx.msk [tilespmem:v5+s21+$0xFFFFFFB0 ss:$0x1], $0xffff  }
0x38: {  	v19 =	vld.idx.msk [tilespmem:v5+s21+$0xFFFFFFC0 ss:$0x1], $0xffff  }
0x39: {  	v7 =	vadd.f32 v13, v7;
	v60 =	vld.idx.msk [tilespmem:v5+s21+$0xFFFFFFD0 ss:$0x1], $0xffff  }
0x3a: {  	v6 =	vadd.f32 v12, v6;
	v62 =	vld.idx.msk [tilespmem:v5+s21+$0xFFFFFFE0 ss:$0x1], $0xffff;
	s22 =	sshll.u32 s19, $0x7;
	v61 =	vadd.f32 v16, v14  }
0x3b: {  	v15 =	vld.idx.msk [tilespmem:v5+s21+$0x0 ss:$0x1], $0xffff;
	v4 =	vadd.f32 v11, v4;
	s31 =	sand.u32 $0x3FFFFF80, s22;
	v7 =	vadd.f32 v17, v7  }
0x3c: {  	v63 =	vld.idx.msk [tilespmem:v5+s21+$0xFFFFFFF0 ss:$0x1], $0xffff;
	v3 =	vadd.f32 v9, v3;
	v6 =	vadd.f32 v18, v6;
	[tilespmem:s31+$0x7800] =	vst v61  }
0x3d: {  	s19 =	sadd.s32 $0x1, s19;
	v1 =	vadd.f32 v8, v1;
	v4 =	vadd.f32 v19, v4;
	[tilespmem:s31+$0x7810] =	vst v7  }
0x3e: {  	p1 =	sne.s32 s19, $0x4;
	v3 =	vadd.f32 v60, v3;
	[tilespmem:s31+$0x7820] =	vst v6  }
.Ltmp1:
0x3f: {  	v0 =	vadd.f32 v10, v0;
	v1 =	vadd.f32 v62, v1;
	[tilespmem:s31+$0x7830] =	vst v4;
	(pc) =	sbr.rel @p1 .LBB2_3-.Ltmp1, $4  }
0x40: {  	v2 =	vadd.f32 v15, v2;
	[tilespmem:s31+$0x7840] =	vst v3  }
0x41: {  	v0 =	vadd.f32 v63, v0;
	[tilespmem:s31+$0x7850] =	vst v1  }
0x42: {  	[tilespmem:s31+$0x7870] =	vst v2  }
0x43: {  	s20 =	sadd.s32 $0xA00, s20;
	[tilespmem:s31+$0x7860] =	vst v0  }
0x44: {  	p1 =	seq.s32 s18, $0x3F  }
0x45: {  	s19 =	smul.u32 @!p1 $0x280, s18;
	_ =	sdelay $0x1  }
0x46: {  	s31 =	sshll.u32 s18, $0x7;
	s19 =	sshra.s32 @!p1 s19, $0x2  }
0x47: {  	s21 =	simm.s32 @!p1 $0x50;
	s22 =	simm.s32 @!p1 $0x2800;
	s20 =	sadd.s32 @!p1 $0xA0, s19  }
0x48: {  	[tilespmem:s22], [sflag:$0x1] =	stream.indirect.gather @!p1 [hbm4b:s2+s21], $0x80, s20, s21, $0xb8;
	[tilespmem:$0x7C00] =	vst v63  }
0x49: {  	s20 =	sadd.s32 s31, s5  }
0x4a: {  	[hbm4b:s20+s3] =	stream.linear.scatter [tilespmem:s12], [sflag:$0x3], $0x200, $0x38;
	[tilespmem:$0x7C00] =	vst v63  }
0x4b: {  	_ =	swait.ge [sflag:s13], $0x2800  }
0x4c: {  	[sflag:s13] =	ssyncset.done $0x0  }
0x4d: {  	s21 =	simm.s32 @!p0 $0x4;
	[sflag:s13] =	ssyncadd.s32 $0xFFFFD800  }
0x4e: {  	_ =	swait.ge @!p0 [sflag:s21], $0x200  }
0x4f: {  	[sflag:s21] =	ssyncset.done @!p0 $0x0  }
0x50: {  	s22 =	simm.s32 $0x5000;
	[sflag:s21] =	ssyncadd.s32 @!p0 $0xFFFFFE00;
	s21 =	simm.s32 $0x0  }
.LBB2_7:
0x51: {  	s23 =	smul.u32 $0x2800, s21;
	_ =	sdelay $0x1  }
0x52: {  	s23 =	sshra.s32 s23, $0x2  }
0x53: {  	v10 =	vld [tilespmem:s23+$0x5000]  }
0x54: {  	v7 =	vld [tilespmem:s23+$0x5010]  }
0x55: {  	v6 =	vld [tilespmem:s23+$0x5020]  }
0x56: {  	v5 =	vmov s22;
	v4 =	vld [tilespmem:s23+$0x5030]  }
0x57: {  	v3 =	vld [tilespmem:s23+$0x5040]  }
0x58: {  	v1 =	vld [tilespmem:s23+$0x5050]  }
0x59: {  	v0 =	vld [tilespmem:s23+$0x5060]  }
0x5a: {  	v2 =	vld [tilespmem:s23+$0x5070]  }
0x5b: {  	v14 =	vld.idx.msk [tilespmem:v5+s25+$0x0 ss:$0x1], $0xffff  }
0x5c: {  	v15 =	vld.idx.msk [tilespmem:v5+s25+$0xFFFFFF90 ss:$0x1], $0xffff  }
0x5d: {  	v13 =	vld.idx.msk [tilespmem:v5+s25+$0xFFFFFFA0 ss:$0x1], $0xffff  }
0x5e: {  	v12 =	vld.idx.msk [tilespmem:v5+s25+$0xFFFFFFB0 ss:$0x1], $0xffff  }
0x5f: {  	v11 =	vld.idx.msk [tilespmem:v5+s25+$0xFFFFFFC0 ss:$0x1], $0xffff  }
0x60: {  	v9 =	vld.idx.msk [tilespmem:v5+s25+$0xFFFFFFD0 ss:$0x1], $0xffff  }
0x61: {  	v8 =	vld.idx.msk [tilespmem:v5+s25+$0xFFFFFFE0 ss:$0x1], $0xffff  }
0x62: {  	s24 =	simm.s32 $0x7C0;
	s23 =	simm.s32 $0x170;
	v2 =	vadd.f32 v14, v2;
	v14 =	vadd.f32 v15, v10;
	v10 =	vld.idx.msk [tilespmem:v5+s25+$0xFFFFFFF0 ss:$0x1], $0xffff  }
.LBB2_8:
0x63: {  	p0 =	sne.s32 s24, $0x27C0;
	v15 =	vld.idx.msk [tilespmem:v5+s23+$0x0 ss:$0x1], $0xffff;
	v7 =	vadd.f32 v13, v7  }
0x64: {  	v6 =	vadd.f32 v12, v6;
	v16 =	vld.idx.msk [tilespmem:v5+s23+$0xFFFFFF90 ss:$0x1], $0xffff  }
0x65: {  	v4 =	vadd.f32 v11, v4;
	v13 =	vld.idx.msk [tilespmem:v5+s23+$0xFFFFFFA0 ss:$0x1], $0xffff  }
.Ltmp2:
0x66: {  	v3 =	vadd.f32 v9, v3;
	v12 =	vld.idx.msk [tilespmem:v5+s23+$0xFFFFFFB0 ss:$0x1], $0xffff;
	(pc) =	sbr.rel @p0 .LBB2_8-.Ltmp2, $4  }
0x67: {  	v1 =	vadd.f32 v8, v1;
	v11 =	vld.idx.msk [tilespmem:v5+s23+$0xFFFFFFC0 ss:$0x1], $0xffff  }
0x68: {  	v0 =	vadd.f32 v10, v0;
	v9 =	vld.idx.msk [tilespmem:v5+s23+$0xFFFFFFD0 ss:$0x1], $0xffff  }
0x69: {  	v2 =	vadd.f32 v15, v2;
	v8 =	vld.idx.msk [tilespmem:v5+s23+$0xFFFFFFE0 ss:$0x1], $0xffff  }
0x6a: {  	v14 =	vadd.f32 v16, v14;
	v10 =	vld.idx.msk [tilespmem:v5+s23+$0xFFFFFFF0 ss:$0x1], $0xffff;
	s23 =	sshra.s32 s24, $0x2;
	s24 =	sadd.s32 $0x200, s24  }
0x6b: {  	_ =	sdelay $0x3  }
0x6c: {  	v16 =	vld.idx.msk [tilespmem:v5+s23+$0xFFFFFF90 ss:$0x1], $0xffff  }
0x6d: {  	v17 =	vld.idx.msk [tilespmem:v5+s23+$0xFFFFFFA0 ss:$0x1], $0xffff  }
0x6e: {  	v18 =	vld.idx.msk [tilespmem:v5+s23+$0xFFFFFFB0 ss:$0x1], $0xffff  }
0x6f: {  	v19 =	vld.idx.msk [tilespmem:v5+s23+$0xFFFFFFC0 ss:$0x1], $0xffff  }
0x70: {  	v7 =	vadd.f32 v13, v7;
	v60 =	vld.idx.msk [tilespmem:v5+s23+$0xFFFFFFD0 ss:$0x1], $0xffff  }
0x71: {  	v6 =	vadd.f32 v12, v6;
	v62 =	vld.idx.msk [tilespmem:v5+s23+$0xFFFFFFE0 ss:$0x1], $0xffff;
	s24 =	sshll.u32 s21, $0x7;
	v61 =	vadd.f32 v16, v14  }
0x72: {  	v15 =	vld.idx.msk [tilespmem:v5+s23+$0x0 ss:$0x1], $0xffff;
	v4 =	vadd.f32 v11, v4;
	s31 =	sand.u32 $0x3FFFFF80, s24;
	v7 =	vadd.f32 v17, v7  }
0x73: {  	v63 =	vld.idx.msk [tilespmem:v5+s23+$0xFFFFFFF0 ss:$0x1], $0xffff;
	v3 =	vadd.f32 v9, v3;
	v6 =	vadd.f32 v18, v6;
	[tilespmem:s31+$0x7A00] =	vst v61  }
0x74: {  	s21 =	sadd.s32 $0x1, s21;
	v1 =	vadd.f32 v8, v1;
	v4 =	vadd.f32 v19, v4;
	[tilespmem:s31+$0x7A10] =	vst v7  }
0x75: {  	p0 =	sne.s32 s21, $0x4;
	v3 =	vadd.f32 v60, v3;
	[tilespmem:s31+$0x7A20] =	vst v6  }
.Ltmp3:
0x76: {  	v0 =	vadd.f32 v10, v0;
	v1 =	vadd.f32 v62, v1;
	[tilespmem:s31+$0x7A30] =	vst v4;
	(pc) =	sbr.rel @p0 .LBB2_7-.Ltmp3, $4  }
0x77: {  	v2 =	vadd.f32 v15, v2;
	[tilespmem:s31+$0x7A40] =	vst v3  }
0x78: {  	v0 =	vadd.f32 v63, v0;
	[tilespmem:s31+$0x7A50] =	vst v1  }
0x79: {  	[tilespmem:s31+$0x7A70] =	vst v2  }
0x7a: {  	s22 =	sadd.s32 $0xA00, s22;
	[tilespmem:s31+$0x7A60] =	vst v0  }
0x7b: {  	s18 =	sadd.s32 $0x1, s18  }
0x7c: {  	p0 =	sne.s32 s18, $0x40  }
.Ltmp4:
0x7d: {  	_ = 	snop;
	(pc) =	sbr.rel @p0 .LBB2_2-.Ltmp4, $4  }
0x7e: {  	s19 =	sadd.s32 @!p1 $0xF0, s19;
	s21 =	simm.s32 @!p1 $0x50;
	s22 =	simm.s32 @!p1 $0x5000  }
0x7f: {  	[tilespmem:s22], [sflag:$0x2] =	stream.indirect.gather @!p1 [hbm4b:s2+s21], $0x80, s19, s21, $0xb8;
	[tilespmem:$0x7C00] =	vst v63  }
0x80: {  	s31 =	sadd.s32 $0x40, s20  }
0x81: {  	[hbm4b:s31+s3] =	stream.linear.scatter [tilespmem:s14], [sflag:$0x4], $0x200, $0x38;
	[tilespmem:$0x7C00] =	vst v63  }
0x82: {  	s17 =	sadd.s32 $0x1, s17  }
0x83: {  	_ =	swait.ge [sflag:s15], $0x200;
	p0 =	sne.s32 s17, s6  }
.Ltmp5:
0x84: {  	[sflag:s15] =	ssyncset.done $0x0;
	(pc) =	sbr.rel @p0 .LBB2_1-.Ltmp5, $4  }
0x85: {  	[sflag:s15] =	ssyncadd.s32 $0xFFFFFE00  }
0x86: {  	_ =	swait.ge [sflag:s16], $0x200  }
0x87: {  	[sflag:s16] =	ssyncset.done $0x0  }
0x88: {  	[sflag:s16] =	ssyncadd.s32 $0xFFFFFE00  }
0x89: {  	_ =	sfence.sel $0x180000  }
0x8a: {  	[bflag:$0x0] =	sbarrier.arrive $0xFFFF  }
0x8b: {  	p0 =	sne.s32 s0, $0x0;
	_ =	strace $0x90000047  }
0x8c: {  	s0 =	sadd.s32 @!p0 $0x100000, s1;
	[bflag:$0x2] =	sbarrier.arrive $0xFFFF  }
0x8d: {  	[sflag:s0] =	ssyncadd.tile.s32 @!p0 $0x1;
	_ =	shalt  }
.Lfunc_end2:
_tile_overlayer_lowered:
.L_overlay_start_2:
0x8e: {  	(tag) =	ssettag $0x2  }
0x8f: {  	s0 =	rddreg [dreg:$0x0];
	s2 =	stileid.u32  }
0x90: {  	s1 =	rddreg [dreg:$0x1];
	p0 =	sne.s32 s2, $0x0  }
0x91: {  	s3 =	rddreg [dreg:$0x2];
	[bflag:$0x3] =	sbarrier.arrive $0xFFFF;
	s2 =	simm.s32 @!p0 $0x1C05  }
0x92: {  	[timem:s3], [sflag:s2] =	dma.local @!p0 [hbm:s0], s1  }
0x93: {  	s0 =	simm.s32 @!p0 $0x5  }
0x94: {  	_ =	swait.ge @!p0 [sflag:s0], s1  }
0x95: {  	s1 =	ssub.s32 @!p0 $0x0, s1;
	[sflag:s0] =	ssyncset.done @!p0 $0x0  }
0x96: {  	[sflag:s0] =	ssyncadd.s32 @!p0 s1  }
0x97: {  	[bflag:$0x3] =	sbarrier.arrive $0xFFFF  }
0x98: {  	_ =	shalt  }

</sc_bundles>
